<compile_context>
chip_gen: v7x
topology: tpu7x:2x2x1
jax: 0.10.2.dev20260603
libtpu: 0.0.44.dev20260713+nightly
codegen_flags: <defaults>
</compile_context>

<pallas_src>
import functools

import jax
import jax.numpy as jnp
from jax import lax
from jax.experimental import pallas as pl
from jax.experimental.pallas import tpu as pltpu
from jax.experimental.pallas import tpu_sc as plsc

_B = 16
_Q = 4096
_L = 16
_NCHUNK = 1
_QC = _Q // _NCHUNK
_NITER = _QC // _L

_LOG1P_COEFS = (
    0.000502721633151848,
    0.9823971197982744,
    -0.3971182964499665,
    0.10774685617806044,
)


def _ce_body(pred_hbm, tgt_hbm, objn_hbm, out_hbm,
             row_v, tgt_v, objn_v, stage_v, allrows_v, shared,
             sem_o, *sems):
    sem_p = sems[:_NCHUNK]
    sem_t = sems[_NCHUNK:]
    s = lax.axis_index("s")
    nrow = 2 * _Q // 128
    nrc = nrow // _NCHUNK
    cp_o = pltpu.async_copy(objn_hbm, objn_v, sem_o)
    cps = []
    for k in range(_NCHUNK):
        cps.append((
            pltpu.async_copy(
                pred_hbm.at[pl.ds(s * nrow + k * nrc, nrc)],
                row_v.at[pl.ds(k * nrc, nrc)], sem_p[k]),
            pltpu.async_copy(
                tgt_hbm.at[s, pl.ds(k * _QC, _QC)],
                tgt_v.at[pl.ds(k * _QC, _QC)], sem_t[k]),
        ))

    cp_o.wait()
    iota = lax.broadcasted_iota(jnp.int32, (_L,), 0)
    sful = jnp.full((_L,), s, jnp.int32)
    my_numb = plsc.load_gather(objn_v, [sful])
    inv = (1.0 / _B) / my_numb.astype(jnp.float32)

    def step(i, acc):
        r = (i >> 3) * 2
        j0 = (i & 7) * _L
        g0 = row_v[r, pl.ds(j0, _L)]
        g1 = row_v[r + 1, pl.ds(j0, _L)]
        t = tgt_v[pl.ds(i * _L, _L)]
        m = jnp.maximum(g0, g1)
        e = jnp.exp(jnp.minimum(g0, g1) - m)
        lp = jnp.full((_L,), _LOG1P_COEFS[-1], jnp.float32)
        for q in _LOG1P_COEFS[-2::-1]:
            lp = lp * e + q
        pt = jnp.where(t == 0, g0, g1)
        ce = (m - pt) + lp
        return acc + jnp.where(iota + i * _L < my_numb, ce, 0.0)

    acc = jnp.zeros((_L,), jnp.float32)
    for k in range(_NCHUNK):
        cps[k][0].wait()
        cps[k][1].wait()
        acc = plsc.parallel_loop(
            k * _NITER, (k + 1) * _NITER, 1, unroll=4, carry=acc)(step)

    stage_v[...] = acc * inv
    pltpu.sync_copy(stage_v, shared.at[pl.ds(s * _L, _L)])
    plsc.subcore_barrier()

    @pl.when(s == 0)
    def _():
        pltpu.sync_copy(shared, allrows_v)

        def red(ss, tot):
            return tot + allrows_v[pl.ds(ss * _L, _L)]

        tot = lax.fori_loop(0, _B, red, jnp.zeros((_L,), jnp.float32))
        stage_v[...] = jnp.full((_L,), jnp.sum(tot), jnp.float32)
        pltpu.sync_copy(stage_v, out_hbm)


_sc_celoss = functools.partial(
    pl.kernel,
    out_type=jax.ShapeDtypeStruct((_L,), jnp.float32),
    mesh=plsc.VectorSubcoreMesh(
        core_axis_name="c", subcore_axis_name="s", num_cores=1),
    compiler_params=pltpu.CompilerParams(
        needs_layout_passes=False, use_tc_tiling_on_sc=True),
    scratch_types=[
        pltpu.VMEM((2 * _Q // 128, 128), jnp.float32),
        pltpu.VMEM((_Q,), jnp.int32),
        pltpu.VMEM((_B,), jnp.int32),
        pltpu.VMEM((_L,), jnp.float32),
        pltpu.VMEM((_B * _L,), jnp.float32),
        pltpu.VMEM_SHARED((_B * _L,), jnp.float32),
    ] + [pltpu.SemaphoreType.DMA] * (1 + 2 * _NCHUNK),
)(_ce_body)


def kernel(pred, target, object_num):
    pred2 = pred.reshape(_B, _Q // 128, 128, 2).transpose(0, 1, 3, 2)
    pred2 = pred2.reshape(_B * (_Q // 128) * 2, 128)
    out = _sc_celoss(pred2, target.astype(jnp.int32),
                     object_num.astype(jnp.int32))
    return out[0]

# --- scband reference (transcript-rebuilt; emitter-appended) ---
"""Pipeline reference for scband-topk-celoss-35107062677765 (READ-ONLY COPY).

The authoritative reference and input builder live on the scoring server;
editing this copy changes nothing except your own understanding.
"""

import jax, jax.numpy as jnp
import numpy as np


def setup_inputs(seed: int = 0) -> dict:
    key = jax.random.key(seed)
    k1, k2, k3 = jax.random.split(key, 3)
    B, Q = 16, 4096
    pred = jax.random.normal(k1, (B, Q, 2), dtype=jnp.float32)
    target = jax.random.randint(k2, (B, Q), 0, 2)
    # object_num must be >= 1 (empty slice would make per-batch CE undefined, matching torch NaN)
    object_num = jax.random.randint(k3, (B,), 1, Q + 1)
    return {"pred": pred, "target": target, "object_num": object_num}


def reference(pred, target, object_num):
    # Faithful translation of TopkCELoss.forward:
    #   for each batch b: CE over the first object_num[b] tokens (mean reduction),
    #   then average the per-batch losses over B.
    # Implemented with masking instead of a python loop (identical math).
    B, Q, C = pred.shape
    logp = jax.nn.log_softmax(pred, axis=-1)  # (B, Q, 2)
    # gather log-prob of the target class per token
    ce = -jnp.take_along_axis(logp, target[..., None].astype(jnp.int32), axis=-1)[..., 0]  # (B, Q)
    mask = jnp.arange(Q)[None, :] < object_num[:, None]  # (B, Q)
    # nn.CrossEntropyLoss default reduction='mean' over the numb valid tokens
    per_batch = jnp.sum(jnp.where(mask, ce, 0.0), axis=1) / object_num.astype(pred.dtype)  # (B,)
    total_loss = jnp.sum(per_batch) / B
    return total_loss

if __name__ == "__main__":
    import jax
    _d = setup_inputs()
    print(jax.jit(kernel)(*tuple(_d.values())))

</pallas_src>

<mosaic_0001>
#map = affine_map<(d0, d1) -> (0, 0)>
#map1 = affine_map<(d0, d1) -> (0)>
module attributes {stable_mosaic.version = 14 : i64} {
  func.func @_ce_body(%arg0: i32, %arg1: i32, %arg2: memref<1024x128xf32, #tpu.memory_space<hbm>>, %arg3: memref<16x4096xi32, #tpu.memory_space<hbm>>, %arg4: memref<16xi32, #tpu.memory_space<hbm>>, %arg5: memref<16xf32, #tpu.memory_space<hbm>>, %arg6: memref<64x128xf32, #tpu.memory_space<vmem>>, %arg7: memref<4096xi32, #tpu.memory_space<vmem>>, %arg8: memref<16xi32, #tpu.memory_space<vmem>>, %arg9: memref<16xf32, #tpu.memory_space<vmem>>, %arg10: memref<256xf32, #tpu.memory_space<vmem>>, %arg11: memref<256xf32, #tpu.memory_space<vmem_shared>>, %arg12: memref<!tpu.dma_semaphore, #tpu.memory_space<semaphore_mem>>, %arg13: memref<!tpu.dma_semaphore, #tpu.memory_space<semaphore_mem>>, %arg14: memref<!tpu.dma_semaphore, #tpu.memory_space<semaphore_mem>>) attributes {dimension_semantics = [#tpu.dimension_semantics<core_parallel>, #tpu.dimension_semantics<subcore_parallel>], iteration_bounds = array<i64: 1, 16>, scalar_prefetch = 0 : i64, scratch_operands = 9 : i64, tpu.core_type = #tpu.core_type<sc_vector_subcore>, window_params = [{transform_indices = #map}, {transform_indices = #map}, {transform_indices = #map1}, {transform_indices = #map1}]} {
    tpu.enqueue_dma source(%arg4 : memref<16xi32, #tpu.memory_space<hbm>>) target(%arg8 : memref<16xi32, #tpu.memory_space<vmem>>) target_semaphore(%arg12 : memref<!tpu.dma_semaphore, #tpu.memory_space<semaphore_mem>>)
    %mul3A = arith.constant 64 : i32
    %mul3A_0 = arith.muli %arg1, %mul3A : i32
    %add3A = arith.constant 0 : i32
    %add3A_1 = arith.addi %mul3A_0, %add3A : i32
    %dma_start3A = arith.constant 0 : i32
    %dma_start3A_2 = arith.constant 0 : i32
    %dma_start3A_3 = tpu.memref_slice %arg6[%dma_start3A, %dma_start3A_2] : memref<64x128xf32, #tpu.memory_space<vmem>> -> memref<64x128xf32, #tpu.memory_space<vmem>>
    %dma_start3A_4 = arith.constant 0 : i32
    %dma_start3A_5 = tpu.memref_slice %arg2[%add3A_1, %dma_start3A_4] : memref<1024x128xf32, #tpu.memory_space<hbm>> -> memref<64x128xf32, #tpu.memory_space<hbm>>
    %dma_start3A_6 = arith.constant 0 : i32
    %dma_start3A_7 = arith.constant 0 : i32
    %dma_start3A_8 = tpu.memref_slice %arg6[%dma_start3A_6, %dma_start3A_7] : memref<64x128xf32, #tpu.memory_space<vmem>> -> memref<64x128xf32, #tpu.memory_space<vmem>>
    %dma_start3A_9 = arith.constant 0 : i32
    %dma_start3A_10 = tpu.memref_slice %arg2[%add3A_1, %dma_start3A_9] : memref<1024x128xf32, #tpu.memory_space<hbm>> -> memref<64x128xf32, #tpu.memory_space<hbm>>
    tpu.enqueue_dma source(%dma_start3A_10 : memref<64x128xf32, #tpu.memory_space<hbm>>) target(%dma_start3A_8 : memref<64x128xf32, #tpu.memory_space<vmem>>) target_semaphore(%arg13 : memref<!tpu.dma_semaphore, #tpu.memory_space<semaphore_mem>>)
    %dma_start3A_11 = arith.constant 0 : i32
    %dma_start3A_12 = tpu.memref_slice %arg7[%dma_start3A_11] : memref<4096xi32, #tpu.memory_space<vmem>> -> memref<4096xi32, #tpu.memory_space<vmem>>
    %dma_start3A_13 = arith.constant 0 : i32
    %dma_start3A_14 = tpu.memref_slice %arg3[%arg1, %dma_start3A_13] : memref<16x4096xi32, #tpu.memory_space<hbm>> -> memref<1x4096xi32, #tpu.memory_space<hbm>>
    %dma_start3A_15 = tpu.memref_squeeze %dma_start3A_14 : memref<1x4096xi32, #tpu.memory_space<hbm>> -> memref<4096xi32, #tpu.memory_space<hbm>>
    %dma_start3A_16 = arith.constant 0 : i32
    %dma_start3A_17 = tpu.memref_slice %arg7[%dma_start3A_16] : memref<4096xi32, #tpu.memory_space<vmem>> -> memref<4096xi32, #tpu.memory_space<vmem>>
    %dma_start3A_18 = arith.constant 0 : i32
    %dma_start3A_19 = tpu.memref_slice %arg3[%arg1, %dma_start3A_18] : memref<16x4096xi32, #tpu.memory_space<hbm>> -> memref<1x4096xi32, #tpu.memory_space<hbm>>
    %dma_start3A_20 = tpu.memref_squeeze %dma_start3A_19 : memref<1x4096xi32, #tpu.memory_space<hbm>> -> memref<4096xi32, #tpu.memory_space<hbm>>
    tpu.enqueue_dma source(%dma_start3A_20 : memref<4096xi32, #tpu.memory_space<hbm>>) target(%dma_start3A_17 : memref<4096xi32, #tpu.memory_space<vmem>>) target_semaphore(%arg14 : memref<!tpu.dma_semaphore, #tpu.memory_space<semaphore_mem>>)
    tpu.wait_dma2 semaphore(%arg12 : memref<!tpu.dma_semaphore, #tpu.memory_space<semaphore_mem>>) src(%arg4 : memref<16xi32, #tpu.memory_space<hbm>>) dst(%arg8 : memref<16xi32, #tpu.memory_space<vmem>>)
    %iota3A = tpu.iota {dimensions = array<i32: 0>} : vector<16xi32>
    %broadcast_in_dim3A = vector.broadcast %arg1 : i32 to vector<16xi32>
    %gather3A = tpu.vector_load_idx %arg8[%broadcast_in_dim3A] : memref<16xi32, #tpu.memory_space<vmem>>[vector<16xi32>], vector<16xi32>,
    %convert_element_type3A = arith.sitofp %gather3A : vector<16xi32> to vector<16xf32>
    %div3A = arith.constant 6.250000e-02 : f32
    %div3A_21 = vector.broadcast %div3A : f32 to vector<16xf32>
    %div3A_22 = arith.divf %div3A_21, %convert_element_type3A : vector<16xf32>
    %broadcast_in_dim3A_23 = arith.constant 0.000000e+00 : f32
    %broadcast_in_dim3A_24 = vector.broadcast %broadcast_in_dim3A_23 : f32 to vector<16xf32>
    %dma_wait3A = arith.constant 0 : i32
    %dma_wait3A_25 = arith.constant 0 : i32
    %dma_wait3A_26 = tpu.memref_slice %arg6[%dma_wait3A, %dma_wait3A_25] : memref<64x128xf32, #tpu.memory_space<vmem>> -> memref<64x128xf32, #tpu.memory_space<vmem>>
    %dma_wait3A_27 = arith.constant 0 : i32
    %dma_wait3A_28 = tpu.memref_slice %arg2[%add3A_1, %dma_wait3A_27] : memref<1024x128xf32, #tpu.memory_space<hbm>> -> memref<64x128xf32, #tpu.memory_space<hbm>>
    %dma_wait3A_29 = arith.constant 0 : i32
    %dma_wait3A_30 = arith.constant 0 : i32
    %dma_wait3A_31 = tpu.memref_slice %arg6[%dma_wait3A_29, %dma_wait3A_30] : memref<64x128xf32, #tpu.memory_space<vmem>> -> memref<64x128xf32, #tpu.memory_space<vmem>>
    %dma_wait3A_32 = arith.constant 0 : i32
    %dma_wait3A_33 = tpu.memref_slice %arg2[%add3A_1, %dma_wait3A_32] : memref<1024x128xf32, #tpu.memory_space<hbm>> -> memref<64x128xf32, #tpu.memory_space<hbm>>
    tpu.wait_dma2 semaphore(%arg13 : memref<!tpu.dma_semaphore, #tpu.memory_space<semaphore_mem>>) src(%dma_wait3A_33 : memref<64x128xf32, #tpu.memory_space<hbm>>) dst(%dma_wait3A_31 : memref<64x128xf32, #tpu.memory_space<vmem>>)
    %dma_wait3A_34 = arith.constant 0 : i32
    %dma_wait3A_35 = tpu.memref_slice %arg7[%dma_wait3A_34] : memref<4096xi32, #tpu.memory_space<vmem>> -> memref<4096xi32, #tpu.memory_space<vmem>>
    %dma_wait3A_36 = arith.constant 0 : i32
    %dma_wait3A_37 = tpu.memref_slice %arg3[%arg1, %dma_wait3A_36] : memref<16x4096xi32, #tpu.memory_space<hbm>> -> memref<1x4096xi32, #tpu.memory_space<hbm>>
    %dma_wait3A_38 = tpu.memref_squeeze %dma_wait3A_37 : memref<1x4096xi32, #tpu.memory_space<hbm>> -> memref<4096xi32, #tpu.memory_space<hbm>>
    %dma_wait3A_39 = arith.constant 0 : i32
    %dma_wait3A_40 = tpu.memref_slice %arg7[%dma_wait3A_39] : memref<4096xi32, #tpu.memory_space<vmem>> -> memref<4096xi32, #tpu.memory_space<vmem>>
    %dma_wait3A_41 = arith.constant 0 : i32
    %dma_wait3A_42 = tpu.memref_slice %arg3[%arg1, %dma_wait3A_41] : memref<16x4096xi32, #tpu.memory_space<hbm>> -> memref<1x4096xi32, #tpu.memory_space<hbm>>
    %dma_wait3A_43 = tpu.memref_squeeze %dma_wait3A_42 : memref<1x4096xi32, #tpu.memory_space<hbm>> -> memref<4096xi32, #tpu.memory_space<hbm>>
    tpu.wait_dma2 semaphore(%arg14 : memref<!tpu.dma_semaphore, #tpu.memory_space<semaphore_mem>>) src(%dma_wait3A_43 : memref<4096xi32, #tpu.memory_space<hbm>>) dst(%dma_wait3A_40 : memref<4096xi32, #tpu.memory_space<vmem>>)
    %parallel_loop3A = arith.constant 0 : i32
    %parallel_loop3A_44 = arith.constant 256 : i32
    %parallel_loop3A_45 = arith.constant 1 : i32
    %parallel_loop3A_46 = scf.for %parallel_loop3A_54 = %parallel_loop3A to %parallel_loop3A_44 step %parallel_loop3A_45 iter_args(%parallel_loop3A_55 = %broadcast_in_dim3A_24) -> (vector<16xf32>)  : i32 {
      %parallel_loop3A_56 = arith.constant 3 : i32
      %parallel_loop3A_57 = arith.shrsi %parallel_loop3A_54, %parallel_loop3A_56 : i32
      %parallel_loop3A_58 = arith.constant 2 : i32
      %parallel_loop3A_59 = arith.muli %parallel_loop3A_57, %parallel_loop3A_58 : i32
      %parallel_loop3A_60 = arith.constant 7 : i32
      %parallel_loop3A_61 = arith.andi %parallel_loop3A_54, %parallel_loop3A_60 : i32
      %parallel_loop3A_62 = arith.constant 16 : i32
      %parallel_loop3A_63 = arith.muli %parallel_loop3A_61, %parallel_loop3A_62 : i32
      %parallel_loop3A_64 = arith.index_cast %parallel_loop3A_59 : i32 to index
      %parallel_loop3A_65 = arith.index_cast %parallel_loop3A_63 : i32 to index
      %parallel_loop3A_66 = tpu.vector_load %arg6[%parallel_loop3A_64, %parallel_loop3A_65] {strides = array<i32>} : memref<64x128xf32, #tpu.memory_space<vmem>>, vector<16xf32>,
      %parallel_loop3A_67 = arith.constant 1 : i32
      %parallel_loop3A_68 = arith.addi %parallel_loop3A_59, %parallel_loop3A_67 : i32
      %parallel_loop3A_69 = arith.index_cast %parallel_loop3A_68 : i32 to index
      %parallel_loop3A_70 = arith.index_cast %parallel_loop3A_63 : i32 to index
      %parallel_loop3A_71 = tpu.vector_load %arg6[%parallel_loop3A_69, %parallel_loop3A_70] {strides = array<i32>} : memref<64x128xf32, #tpu.memory_space<vmem>>, vector<16xf32>,
      %parallel_loop3A_72 = arith.constant 16 : i32
      %parallel_loop3A_73 = arith.muli %parallel_loop3A_54, %parallel_loop3A_72 : i32
      %parallel_loop3A_74 = arith.index_cast %parallel_loop3A_73 : i32 to index
      %parallel_loop3A_75 = tpu.vector_load %arg7[%parallel_loop3A_74] {strides = array<i32>} : memref<4096xi32, #tpu.memory_space<vmem>>, vector<16xi32>,
      %parallel_loop3A_76 = arith.maximumf %parallel_loop3A_66, %parallel_loop3A_71 : vector<16xf32>
      %parallel_loop3A_77 = arith.minimumf %parallel_loop3A_66, %parallel_loop3A_71 : vector<16xf32>
      %parallel_loop3A_78 = arith.subf %parallel_loop3A_77, %parallel_loop3A_76 : vector<16xf32>
      %parallel_loop3A_79 = math.exp %parallel_loop3A_78 : vector<16xf32>
      %parallel_loop3A_80 = arith.constant 0.107746854 : f32
      %parallel_loop3A_81 = vector.broadcast %parallel_loop3A_80 : f32 to vector<16xf32>
      %parallel_loop3A_82 = arith.mulf %parallel_loop3A_81, %parallel_loop3A_79 : vector<16xf32>
      %parallel_loop3A_83 = arith.constant -0.3971183 : f32
      %parallel_loop3A_84 = vector.broadcast %parallel_loop3A_83 : f32 to vector<16xf32>
      %parallel_loop3A_85 = arith.addf %parallel_loop3A_82, %parallel_loop3A_84 : vector<16xf32>
      %parallel_loop3A_86 = arith.mulf %parallel_loop3A_85, %parallel_loop3A_79 : vector<16xf32>
      %parallel_loop3A_87 = arith.constant 0.982397139 : f32
      %parallel_loop3A_88 = vector.broadcast %parallel_loop3A_87 : f32 to vector<16xf32>
      %parallel_loop3A_89 = arith.addf %parallel_loop3A_86, %parallel_loop3A_88 : vector<16xf32>
      %parallel_loop3A_90 = arith.mulf %parallel_loop3A_89, %parallel_loop3A_79 : vector<16xf32>
      %parallel_loop3A_91 = arith.constant 5.02721639E-4 : f32
      %parallel_loop3A_92 = vector.broadcast %parallel_loop3A_91 : f32 to vector<16xf32>
      %parallel_loop3A_93 = arith.addf %parallel_loop3A_90, %parallel_loop3A_92 : vector<16xf32>
      %parallel_loop3A_94 = arith.constant 0 : i32
      %parallel_loop3A_95 = vector.broadcast %parallel_loop3A_94 : i32 to vector<16xi32>
      %parallel_loop3A_96 = arith.cmpi eq, %parallel_loop3A_75, %parallel_loop3A_95 : vector<16xi32>
      %parallel_loop3A_97 = arith.select %parallel_loop3A_96, %parallel_loop3A_66, %parallel_loop3A_71 : vector<16xi1>, vector<16xf32>
      %parallel_loop3A_98 = arith.subf %parallel_loop3A_76, %parallel_loop3A_97 : vector<16xf32>
      %parallel_loop3A_99 = arith.addf %parallel_loop3A_98, %parallel_loop3A_93 : vector<16xf32>
      %parallel_loop3A_100 = arith.constant 16 : i32
      %parallel_loop3A_101 = arith.muli %parallel_loop3A_54, %parallel_loop3A_100 : i32
      %parallel_loop3A_102 = vector.broadcast %parallel_loop3A_101 : i32 to vector<16xi32>
      %parallel_loop3A_103 = arith.addi %iota3A, %parallel_loop3A_102 : vector<16xi32>
      %parallel_loop3A_104 = arith.cmpi slt, %parallel_loop3A_103, %gather3A : vector<16xi32>
      %parallel_loop3A_105 = arith.constant 0.000000e+00 : f32
      %parallel_loop3A_106 = vector.broadcast %parallel_loop3A_105 : f32 to vector<16xf32>
      %parallel_loop3A_107 = arith.select %parallel_loop3A_104, %parallel_loop3A_99, %parallel_loop3A_106 : vector<16xi1>, vector<16xf32>
      %parallel_loop3A_108 = arith.addf %parallel_loop3A_55, %parallel_loop3A_107 : vector<16xf32>
      scf.yield %parallel_loop3A_108 : vector<16xf32>
    } {sc.loop_unroll_factor = 4 : i64, sc.parallel_access}
    %mul3A_47 = arith.mulf %parallel_loop3A_46, %div3A_22 : vector<16xf32>
    %swap3A = arith.constant 0 : index
    %swap3A_48 = tpu.vector_load %arg9[%swap3A] {strides = array<i32>} : memref<16xf32, #tpu.memory_space<vmem>>, vector<16xf32>,
    tpu.vector_store %arg9[%swap3A], %mul3A_47 {strides = array<i32>} : memref<16xf32, #tpu.memory_space<vmem>>, vector<16xf32>,
    %mul3A_49 = arith.constant 16 : i32
    %mul3A_50 = arith.muli %arg1, %mul3A_49 : i32
    "tpu.region"() ({
      %run_scoped3A = tpu.sem_alloc : memref<!tpu.dma_semaphore, #tpu.memory_space<semaphore_mem>>
      %dma_start3A_54 = tpu.memref_slice %arg11[%mul3A_50] : memref<256xf32, #tpu.memory_space<vmem_shared>> -> memref<16xf32, #tpu.memory_space<vmem_shared>>
      %dma_start3A_55 = tpu.memref_slice %arg11[%mul3A_50] : memref<256xf32, #tpu.memory_space<vmem_shared>> -> memref<16xf32, #tpu.memory_space<vmem_shared>>
      tpu.enqueue_dma source(%arg9 : memref<16xf32, #tpu.memory_space<vmem>>) target(%dma_start3A_55 : memref<16xf32, #tpu.memory_space<vmem_shared>>) target_semaphore(%run_scoped3A : memref<!tpu.dma_semaphore, #tpu.memory_space<semaphore_mem>>)
      %dma_wait3A_56 = tpu.memref_slice %arg11[%mul3A_50] : memref<256xf32, #tpu.memory_space<vmem_shared>> -> memref<16xf32, #tpu.memory_space<vmem_shared>>
      %dma_wait3A_57 = tpu.memref_slice %arg11[%mul3A_50] : memref<256xf32, #tpu.memory_space<vmem_shared>> -> memref<16xf32, #tpu.memory_space<vmem_shared>>
      tpu.wait_dma2 semaphore(%run_scoped3A : memref<!tpu.dma_semaphore, #tpu.memory_space<semaphore_mem>>) src(%arg9 : memref<16xf32, #tpu.memory_space<vmem>>) dst(%dma_wait3A_57 : memref<16xf32, #tpu.memory_space<vmem_shared>>)
      tpu.yield
    }) : () -> ()
    %barrier3A = arith.constant 0 : index
    tpu.barrier barrier_id(%barrier3A)
    %eq3A = arith.constant 0 : i32
    %eq3A_51 = arith.cmpi eq, %arg1, %eq3A : i32
    %convert_element_type3A_52 = arith.extui %eq3A_51 : i1 to i32
    %cond3A = arith.constant 0 : i32
    %cond3A_53 = arith.cmpi ne, %convert_element_type3A_52, %cond3A : i32
    scf.if %cond3A_53 {
      "tpu.region"() ({
        %run_scoped3A = tpu.sem_alloc : memref<!tpu.dma_semaphore, #tpu.memory_space<semaphore_mem>>
        tpu.enqueue_dma source(%arg11 : memref<256xf32, #tpu.memory_space<vmem_shared>>) target(%arg10 : memref<256xf32, #tpu.memory_space<vmem>>) target_semaphore(%run_scoped3A : memref<!tpu.dma_semaphore, #tpu.memory_space<semaphore_mem>>)
        tpu.wait_dma2 semaphore(%run_scoped3A : memref<!tpu.dma_semaphore, #tpu.memory_space<semaphore_mem>>) src(%arg11 : memref<256xf32, #tpu.memory_space<vmem_shared>>) dst(%arg10 : memref<256xf32, #tpu.memory_space<vmem>>)
        tpu.yield
      }) : () -> ()
      %broadcast_in_dim3A_54 = arith.constant 0.000000e+00 : f32
      %broadcast_in_dim3A_55 = vector.broadcast %broadcast_in_dim3A_54 : f32 to vector<16xf32>
      %scan3A = arith.constant 0 : i32
      %scan3A_56 = arith.constant 16 : i32
      %scan3A_57 = arith.addi %scan3A, %scan3A_56 : i32
      %scan3A_58 = arith.constant 1 : i32
      %scan3A_59 = scf.for %scan3A_67 = %scan3A to %scan3A_57 step %scan3A_58 iter_args(%scan3A_68 = %broadcast_in_dim3A_55) -> (vector<16xf32>)  : i32 {
        %mul3A_69 = arith.constant 16 : i32
        %mul3A_70 = arith.muli %scan3A_67, %mul3A_69 : i32
        %get3A = arith.index_cast %mul3A_70 : i32 to index
        %get3A_71 = tpu.vector_load %arg10[%get3A] {strides = array<i32>} : memref<256xf32, #tpu.memory_space<vmem>>, vector<16xf32>,
        %add3A_72 = arith.addf %scan3A_68, %get3A_71 : vector<16xf32>
        scf.yield %add3A_72 : vector<16xf32>
      }
      %scan3A_60 = arith.constant 16 : i32
      %reduce_sum3A = arith.constant true
      %reduce_sum3A_61 = vector.broadcast %reduce_sum3A : i1 to vector<16xi1>
      %reduce_sum3A_62 = tpu.scan <sum>, %scan3A_59 masked %reduce_sum3A_61 : vector<16xf32>, vector<16xi1> -> vector<16xf32>
      %reduce_sum3A_63 = vector.extract %reduce_sum3A_62[15] : f32 from vector<16xf32>
      %broadcast_in_dim3A_64 = vector.broadcast %reduce_sum3A_63 : f32 to vector<16xf32>
      %swap3A_65 = arith.constant 0 : index
      %swap3A_66 = tpu.vector_load %arg9[%swap3A_65] {strides = array<i32>} : memref<16xf32, #tpu.memory_space<vmem>>, vector<16xf32>,
      tpu.vector_store %arg9[%swap3A_65], %broadcast_in_dim3A_64 {strides = array<i32>} : memref<16xf32, #tpu.memory_space<vmem>>, vector<16xf32>,
      "tpu.region"() ({
        %run_scoped3A = tpu.sem_alloc : memref<!tpu.dma_semaphore, #tpu.memory_space<semaphore_mem>>
        tpu.enqueue_dma source(%arg9 : memref<16xf32, #tpu.memory_space<vmem>>) target(%arg5 : memref<16xf32, #tpu.memory_space<hbm>>) target_semaphore(%run_scoped3A : memref<!tpu.dma_semaphore, #tpu.memory_space<semaphore_mem>>)
        tpu.wait_dma2 semaphore(%run_scoped3A : memref<!tpu.dma_semaphore, #tpu.memory_space<semaphore_mem>>) src(%arg9 : memref<16xf32, #tpu.memory_space<vmem>>) dst(%arg5 : memref<16xf32, #tpu.memory_space<hbm>>)
        tpu.yield
      }) : () -> ()
    } else {
    }
    return
  }
}

</mosaic_0001>

<sc_bundles>
// kernel: kernel.3.cloned.1.call-start
scs
__scs_entry_jumppad:
0x0: {  	(pc) =	sbr.rel $0x88, $3  }
0x1: {  	(tag) =	ssettag $0x0;
	lr =	simm.s32 $0x1  }
0x2: {  	[smem:$0x3F9E] =	sst lr;
	_ =	strace $0xD0000000  }
0x3: {  	_ = 	snop  }
0x4: {  	_ = 	snop  }
0x5: {  	_ = 	snop  }
0x6: {  	_ = 	snop  }
0x7: {  	_ = 	snop  }
__scs_overlays_trampoline_lowered:
0x8: {  	[smem:$0x3FAD] =	sst s0  }
0x9: {  	[smem:$0x3FAE] =	sst s1  }
0xa: {  	[smem:$0x3FAF] =	sst s2  }
0xb: {  	[smem:$0x3FB0] =	sst s3  }
0xc: {  	[smem:$0x3FB1] =	sst s4  }
0xd: {  	[smem:$0x3FB2] =	sst s5  }
0xe: {  	[smem:$0x3FB3] =	sst s6  }
0xf: {  	[smem:$0x3FB4] =	sst s7  }
0x10: {  	[smem:$0x3FB5] =	sst s8  }
0x11: {  	[smem:$0x3FB6] =	sst s9;
	s0 =	simm.s32 @!p0 $0x0  }
0x12: {  	s1 =	sld [smem:$0x3F9C];
	s0 =	simm.s32 @p0 $0x1  }
0x13: {  	[smem:$0x3FB7] =	sst s0;
	s0 =	simm.s32 @!p1 $0x0  }
0x14: {  	s2 =	sld [smem:$0x3F9B];
	s0 =	simm.s32 @p1 $0x1  }
0x15: {  	[smem:$0x3FB8] =	sst s0;
	s0 =	simm.s32 @!p2 $0x0  }
0x16: {  	s3 =	sld [smem:$0x3FDB];
	s0 =	simm.s32 @p2 $0x1  }
0x17: {  	s4 =	simm.s32 $0x1BF5;
	[smem:$0x3FBA] =	sst s0  }
0x18: {  	s0 =	sld [smem:$0x3F9D];
	_ =	swait.ge [sflag:s4], $0x0  }
0x19: {  	s7 =	sld [smem:$0x3F9E]  }
0x1a: {  	s8 =	sadd.s32 $0xFFFFE003, lr  }
0x1b: {  	s9 =	sadd.s32 $0xFFFFFEF7, lr;
	s5 =	simm.s32 $0xFFFFFFFF;
	p2 =	slt.u32 s8, $0xFFFFF086  }
0x1c: {  	p1 =	slt.u32 s9, $0xF7A;
	s5 =	simm.s32 @!p2 $0x0  }
0x1d: {  	s5 =	simm.s32 @p1 $0x1;
	p0 =	seq.s32 s7, s2  }
0x1e: {  	s7 =	smul.u32 @!p0 $0xF7A, s2;
	p2 =	seq.s32 @!p0 s5, $0x0  }
0x1f: {  	s9 =	smul.u32 $0xF7A, s1;
	s8 =	simm.s32 @!p0 $0x1BF5;
	p2 =	por !p2, p0  }
0x20: {  	[sflag:s8] =	ssyncset.s32 @!p0 $0xFFFFF086;
	s6 =	sadd.s32 @!p0 s3, s7;
	s7 =	simm.s32 @!p0 $0x108  }
0x21: {  	s3 =	sadd.s32 s3, s9;
	s6 =	sadd.s32 @!p0 $0x88, s6;
	s7 =	simm.s32 @p2 $0x1082  }
0x22: {  	[simem:s7], [sflag:s8] =	dma.local @!p0 [hbm:s6], $0xF7A  }
0x23: {  	s9 =	sor.u32 $0xD0000000, s2;
	s6 =	simm.s32 $0x108;
	_ =	swait.ge @!p0 [sflag:s8], $0x0  }
0x24: {  	s3 =	sadd.s32 $0x88, s3;
	s6 =	simm.s32 @!p1 $0x1082;
	[sflag:s4] =	ssyncset.s32 $0xFFFFF086  }
0x25: {  	[simem:s6], [sflag:s4] =	dma.local [hbm:s3], $0xF7A  }
0x26: {  	[smem:$0x3F9E] =	sst s1;
	(tag) =	ssettag s2;
	_ =	strace s9  }
0x27: {  	s1 =	sld [smem:$0x3FAE]  }
0x28: {  	s2 =	sld [smem:$0x3FAF]  }
0x29: {  	s4 =	sld [smem:$0x3FB1]  }
0x2a: {  	p0 =	seq.s32 s5, $0x0;
	s5 =	sld [smem:$0x3FB2]  }
0x2b: {  	s6 =	sld [smem:$0x3FB3]  }
0x2c: {  	s7 =	sld [smem:$0x3FB4]  }
0x2d: {  	s3 =	simm.s32 $0x108;
	s8 =	sld [smem:$0x3FB5]  }
0x2e: {  	s3 =	simm.s32 @!p0 $0x1082;
	s9 =	sld [smem:$0x3FB6]  }
0x2f: {  	lr =	sadd.s32 s0, s3;
	s0 =	sld [smem:$0x3FAD]  }
0x30: {  	s3 =	sld [smem:$0x3FB0]  }
0x31: {  	[smem:$0x3FB9] =	sst s10  }
0x32: {  	s10 =	sld [smem:$0x3FB7];
	_ =	sdelay $0x3  }
0x33: {  	p0 =	seq.s32 s10, $0x1;
	s10 =	sld [smem:$0x3FB9];
	_ =	sdelay $0x3  }
0x34: {  	[smem:$0x3FB9] =	sst s10  }
0x35: {  	s10 =	sld [smem:$0x3FB8];
	_ =	sdelay $0x3  }
0x36: {  	p1 =	seq.s32 s10, $0x1;
	s10 =	sld [smem:$0x3FB9];
	_ =	sdelay $0x3  }
0x37: {  	[smem:$0x3FB9] =	sst s10  }
0x38: {  	s10 =	sld [smem:$0x3FBA]  }
0x39: {  	_ = 	snop;
	(pc) =	sbr.ind lr, $3  }
0x3a: {  	_ = 	snop  }
0x3b: {  	_ = 	snop  }
0x3c: {  	p2 =	seq.s32 s10, $0x1;
	s10 =	sld [smem:$0x3FB9]  }
0x3d: {  	_ =	shalt  }
0x3e: {  	_ =	shalt  }
0x3f: {  	_ =	shalt  }
0x40: {  	_ =	shalt  }
0x41: {  	_ =	shalt  }
0x42: {  	_ =	shalt  }
0x43: {  	_ =	shalt  }
0x44: {  	_ =	shalt  }
0x45: {  	_ =	shalt  }
0x46: {  	_ =	shalt  }
0x47: {  	_ =	shalt  }
0x48: {  	_ =	shalt  }
0x49: {  	_ =	shalt  }
0x4a: {  	_ =	shalt  }
0x4b: {  	_ =	shalt  }
0x4c: {  	_ =	shalt  }
0x4d: {  	_ =	shalt  }
0x4e: {  	_ =	shalt  }
0x4f: {  	_ =	shalt  }
0x50: {  	_ =	shalt  }
0x51: {  	_ =	shalt  }
0x52: {  	_ =	shalt  }
0x53: {  	_ =	shalt  }
0x54: {  	_ =	shalt  }
0x55: {  	_ =	shalt  }
0x56: {  	_ =	shalt  }
0x57: {  	_ =	shalt  }
0x58: {  	_ =	shalt  }
0x59: {  	_ =	shalt  }
0x5a: {  	_ =	shalt  }
0x5b: {  	_ =	shalt  }
0x5c: {  	_ =	shalt  }
0x5d: {  	_ =	shalt  }
0x5e: {  	_ =	shalt  }
0x5f: {  	_ =	shalt  }
0x60: {  	_ =	shalt  }
0x61: {  	_ =	shalt  }
0x62: {  	_ =	shalt  }
0x63: {  	_ =	shalt  }
0x64: {  	_ =	shalt  }
0x65: {  	_ =	shalt  }
0x66: {  	_ =	shalt  }
0x67: {  	_ =	shalt  }
0x68: {  	_ =	shalt  }
0x69: {  	_ =	shalt  }
0x6a: {  	_ =	shalt  }
0x6b: {  	_ =	shalt  }
0x6c: {  	_ =	shalt  }
0x6d: {  	_ =	shalt  }
0x6e: {  	_ =	shalt  }
0x6f: {  	_ =	shalt  }
0x70: {  	_ =	shalt  }
0x71: {  	_ =	shalt  }
0x72: {  	_ =	shalt  }
0x73: {  	_ =	shalt  }
0x74: {  	_ =	shalt  }
0x75: {  	_ =	shalt  }
0x76: {  	_ =	shalt  }
0x77: {  	_ =	shalt  }
0x78: {  	_ =	shalt  }
0x79: {  	_ =	shalt  }
0x7a: {  	_ =	shalt  }
0x7b: {  	_ =	shalt  }
0x7c: {  	_ =	shalt  }
0x7d: {  	_ =	shalt  }
0x7e: {  	_ =	shalt  }
0x7f: {  	_ =	shalt  }
0x80: {  	_ =	shalt  }
0x81: {  	_ =	shalt  }
0x82: {  	_ =	shalt  }
0x83: {  	_ =	shalt  }
0x84: {  	_ =	shalt  }
0x85: {  	_ =	shalt  }
0x86: {  	_ =	shalt  }
0x87: {  	_ =	shalt  }
.Lfunc_end0:
.L_simem_size_0:
called_computation_lowered:
.L_overlay_start_0:
0x88: {  	s0 =	sld [smem:$0x3FD9]  }
0x89: {  	s1 =	sld [smem:$0x3FFE];
	_ =	sdelay $0x3  }
0x8a: {  	s0 =	sadd.s32 s1, s0  }
0x8b: {  	[smem:$0x3FC5] =	sst s0  }
0x8c: {  	_ = 	snop  }
0x8d: {  	s0 =	sld [smem:$0x3FC9]  }
0x8e: {  	s17 =	sld [smem:$0x3FC8]  }
0x8f: {  	s2 =	sld [smem:$0x3FC7]  }
0x90: {  	s3 =	sld [smem:$0x3FD0];
	(tm) =	ssettm $0x1  }
0x91: {  	s4 =	sld [smem:$0x3FFB];
	_ =	sdelay $0x3  }
0x92: {  	_ =	strace s4  }
0x93: {  	s4 =	sld [smem:$0x3FFC];
	_ =	sdelay $0x3  }
0x94: {  	_ =	strace s4  }
0x95: {  	s4 =	sld [smem:$0x3FFD];
	_ =	sdelay $0x3  }
0x96: {  	_ =	strace s4  }
0x97: {  	_ =	strace $0x8FFFFFFF  }
0x98: {  	s18 =	sld [smem:$0x3FDB];
	_ =	sdelay $0x1  }
0x99: {  	s5 =	simm.s32 $_scs_section_size  }
0x9a: {  	s6 =	simm.s32 $_size__tile_overlayer_lowered;
	s7 =	simm.s32 $_tile_overlayer_lowered  }
0x9b: {  	s21 =	simm.s32 $0x1BFF;
	s20 =	sshll.u32 s7, $0x1;
	s4 =	sadd.s32 s5, s18  }
0x9c: {  	s8 =	simm.s32 $0x0;
	s19 =	sshll.u32 s6, $0x1;
	s6 =	sadd.s32 s20, s4  }
0x9d: {  	[timem:s8], [sflag:s21] =	dma.local [hbm:s6], s19  }
0x9e: {  	_ =	swait.ge [sflag:s21], s19  }
0x9f: {  	s5 =	ssub.s32 $0x0, s19;
	[sflag:s21] =	ssyncset.done $0x0  }
0xa0: {  	[sflag:s21] =	ssyncadd.s32 s5;
	_ =	sdelay $0x1  }
0xa1: {  	s22 =	simm.s32 $0x1B8B  }
0xa2: {  	_ =	swait.ge [sflag:s22], $0x1  }
0xa3: {  	[sflag:s22] =	ssyncset.done $0x0  }
0xa4: {  	s23 =	simm.s32 $0x1B8E;
	[sflag:s22] =	ssyncadd.s32 $0xFFFFFFFF  }
0xa5: {  	s24 =	simm.s32 $execute0_lowered;
	[smem:$0x3FD2] =	sst s23  }
0xa6: {  	s5 =	sshll.u32 s24, $0x1;
	_ =	strace $0x80000046;
	[dreg:$0x1] =	wrdreg $0xFFFFFFFF  }
0xa7: {  	s25 =	simm.s32 $_size_execute0_lowered;
	s4 =	sadd.s32 s4, s5;
	[dreg:$0x0] =	wrdreg $0x0  }
0xa8: {  	s5 =	sshll.u32 s25, $0x1;
	[dreg:$0x2] =	wrdreg s4  }
0xa9: {  	[dreg:$0x3] =	wrdreg s5  }
0xaa: {  	[dreg:$0x4] =	wrdreg $0xC0  }
0xab: {  	_ =	task [dreg:s8], $0x5FFFF  }
0xac: {  	[dreg:$0x1] =	wrdreg $0xFFFFFFFF  }
0xad: {  	[dreg:$0x0] =	wrdreg $0x60  }
0xae: {  	[dreg:$0x2] =	wrdreg s0  }
0xaf: {  	[dreg:$0x3] =	wrdreg s17  }
0xb0: {  	[dreg:$0x4] =	wrdreg s2  }
0xb1: {  	[dreg:$0x5] =	wrdreg s3  }
0xb2: {  	[dreg:$0x6] =	wrdreg $0x32000  }
0xb3: {  	[dreg:$0x7] =	wrdreg $0x9  }
0xb4: {  	_ =	task.clear_ibuf [dreg:s8], $0x8FFFF;
	_ =	strace $0x90000046  }
0xb5: {  	s26 =	simm.s32 $0x9;
	_ =	strace $0x80000048  }
0xb6: {  	_ =	swait.ge [sflag:s26], $0x1  }
0xb7: {  	[sflag:s26] =	ssyncadd.s32 $0xFFFFFFFF  }
0xb8: {  	_ =	strace $0x90000048  }
0xb9: {  	_ =	sfence  }
0xba: {  	s28 =	sld [smem:$0x0];
	_ =	sdelay $0x1  }
0xbb: {  	s29 =	srdreg.scid  }
0xbc: {  	s30 =	sshll.u32 s29, $0xD;
	s31 =	sshrl.u32 s29, $0x2  }
0xbd: {  	s1 =	sand.u32 $0x1, s29;
	s2 =	sand.u32 $0x4000, s30;
	s0 =	sadd.s32 s31, s28  }
0xbe: {  	s1 =	sor.u32 s2, s1;
	s0 =	sshll.u32 s0, $0x11  }
0xbf: {  	s0 =	sor.u32 s0, s1  }
0xc0: {  	s0 =	sadd.s32 $0x8F2B, s0  }
0xc1: {  	[sflag:s0] =	ssyncadd.remote.s32 $0x1  }
0xc2: {  	_ =	sfence.sel $0xFFFF  }
0xc3: {  	[dreg:$0x0] =	wrdreg $0xFFFFFFFF;
	(pc) =	sbr.abs _section_cstart, $3  }
0xc4: {  	[dreg:$0x1] =	wrdreg $0xFFFFFFFF  }
0xc5: {  	_ =	task.clear_ibuf [dreg:s8], $0x2FFFF;
	_ =	strace $0x9FFFFFFF  }
0xc6: {  	(tm) =	ssettm $0x7FFFFFFF  }
0xc7: {  	_ =	shalt  }
tec
execute0_lowered:
.L_overlay_start_1:
0x0: {  	(tag) =	ssettag $0x1  }
0x1: {  	s5 =	rddreg [dreg:$0x0]  }
0x2: {  	s6 =	rddreg [dreg:$0x1]  }
0x3: {  	s7 =	rddreg [dreg:$0x2]  }
0x4: {  	s1 =	rddreg [dreg:$0x3]  }
0x5: {  	s2 =	rddreg [dreg:$0x4]  }
0x6: {  	s0 =	rddreg [dreg:$0x5];
	s8 =	simm.s32 $0x0;
	s3 =	stileid.u32  }
0x7: {  	s13 =	simm.s32 $0x3000;
	s14 =	simm.s32 $0x80;
	s15 =	simm.s32 $0x400  }
0x8: {  	[smem:$0x7FF] =	sst s8;
	s4 =	sshll.u32 s3, $0x4;
	s9 =	sshll.u32 s3, $0xA  }
0x9: {  	s10 =	sshll.u32 s3, $0x9;
	_ =	strace $0x80000047;
	s11 =	sand.u32 $0x70, s4  }
0xa: {  	[tilespmem:s13], [sflag:$0x1] =	stream.linear.gather [hbm4b:s7+s8], $0x80, $0x38;
	[tilespmem:$0x3210] =	vst v63  }
0xb: {  	s10 =	sand.u32 $0x1000, s10;
	s5 =	sadd.s32 s5, s9;
	s6 =	sadd.s32 s6, s11  }
0xc: {  	[tilespmem:s8], [sflag:$0x2] =	stream.linear.gather [hbm4b:s5+s8], $0x2000, $0x38;
	[tilespmem:$0x3210] =	vst v63  }
0xd: {  	s16 =	simm.s32 $0x2000;
	v0 =	vmov s3;
	s6 =	sadd.s32 s10, s6;
	s5 =	simm.s32 $0x1  }
0xe: {  	[tilespmem:s16], [sflag:$0x3] =	stream.strided.gather [hbm4b:s6+s14], $0x1000, s15, s14, $0x38;
	[tilespmem:$0x3210] =	vst v63  }
0xf: {  	_ =	swait.ge [sflag:s5], $0x80  }
0x10: {  	s17 =	simm.s32 $0x2;
	s18 =	simm.s32 $0x3;
	[sflag:s5] =	ssyncset.done $0x0  }
0x11: {  	p0 =	por $0x0, $0x0;
	s20 =	simm.s32 $0x0;
	[sflag:s5] =	ssyncadd.s32 $0xFFFFFF80  }
0x12: {  	s19 =	sand.u32 $0x3, s8;
	s11 =	simm.s32 $0x1;
	v0 =	vld.idx.msk [tilespmem:v0+s13+$0x0], $0xffff;
	_ =	swait.ge [sflag:s17], $0x2000  }
0x13: {  	s7 =	sand.u32 $0x1F00, s20;
	s11 =	simm.s32 @!p0 $0x0;
	[sflag:s17] =	ssyncset.done $0x0  }
0x14: {  	s10 =	simm.s32 $0x0;
	s11 =	sshll.u32 s11, $0x6;
	[sflag:s17] =	ssyncadd.s32 $0xFFFFE000  }
0x15: {  	s8 =	sand.u32 $0x7, s8;
	s21 =	sadd.s32 $0x0, s11;
	_ =	swait.ge [sflag:s18], $0x1000  }
0x16: {  	s8 =	sshll.u32 s8, $0x4;
	s13 =	sand.u32 $0x40, s10;
	[sflag:s18] =	ssyncset.done $0x0  }
0x17: {  	s11 =	simm.s32 $0x10;
	s13 =	sor.u32 s13, s7;
	[sflag:s18] =	ssyncadd.s32 $0xFFFFF000  }
0x18: {  	s22 =	sor.u32 $0x80, s21;
	s23 =	sadd.s32 $0x0, s8;
	s24 =	sand.u32 $0x50, s11;
	v8 =	vld [tilespmem:s13+$0x0]  }
0x19: {  	s9 =	simm.s32 $0x20;
	s8 =	sor.u32 s24, s7;
	s26 =	sadd.s32 $0x10, s23;
	v10 =	vld [tilespmem:s22+$0x0]  }
0x1a: {  	s12 =	sand.u32 $0x60, s9;
	s6 =	sshll.u32 s19, $0x5;
	s28 =	sor.u32 $0x80, s26;
	v16 =	vld [tilespmem:s8+$0x0]  }
0x1b: {  	s25 =	simm.s32 $0x30;
	s12 =	sor.u32 s12, s7;
	s6 =	sadd.s32 $0x20, s6;
	v17 =	vld [tilespmem:s28+$0x0]  }
0x1c: {  	s14 =	sand.u32 $0x70, s25;
	s6 =	sor.u32 $0x80, s6;
	v6 =	vld [tilespmem:s12+$0x0]  }
0x1d: {  	s7 =	sor.u32 s14, s7;
	v9 =	vld [tilespmem:s6+$0x0];
	s6 =	sadd.s32 $0x30, s23  }
0x1e: {  	v18 =	vld [tilespmem:s7+$0x0];
	s6 =	sor.u32 $0x80, s6;
	v20 =	vmax.f32 v8, v10;
	v1 =	vmin.f32 v8, v10  }
0x1f: {  	v19 =	vld [tilespmem:s6+$0x0];
	v1 =	vsub.f32 v1, v20  }
0x20: {  	v21 =	vmax.f32 v16, v17;
	v2 =	vmin.f32 v16, v17  }
0x21: {  	v2 =	vsub.f32 v2, v21;
	v1 =	vmul.f32 $1.442695020e+00, v1  }
0x22: {  	s29 =	simm.s32 $0x2020;
	v22 =	vmax.f32 v6, v9;
	v3 =	vmin.f32 v6, v9  }
0x23: {  	v5 =	vld [tilespmem:s29+$0x10];
	v3 =	vsub.f32 v3, v22;
	v2 =	vmul.f32 $1.442695020e+00, v2;
	(erf) = vpow2.f32 v1  }
0x24: {  	v11 =	vld [tilespmem:s29+$0x0];
	v23 =	vmax.f32 v18, v19;
	v4 =	vmin.f32 v18, v19  }
0x25: {  	v14 =	vld [tilespmem:s29+$0xFFFFFFE0];
	v1 =	vsub.f32 v4, v23;
	v4 =	vmul.f32 $1.442695020e+00, v3;
	(erf) = vpow2.f32 v2  }
0x26: {  	s30 =	simm.s32 $0x2;
	p0 =	por !p0, !p0;
	v12 =	vld [tilespmem:s29+$0xFFFFFFF0]  }
0x27: {  	s31 =	sand.u32 $0x3, s30;
	s5 =	simm.s32 @!p0 $0x0;
	(erf) = vpow2.f32 v4  }
0x28: {  	s16 =	simm.s32 $0x80;
	s5 =	sshll.u32 s5, $0x6;
	s7 =	simm.s32 $0x40;
	v7 =	vmul.f32 $1.442695020e+00, v1;
	v1 =	vlaneseq.u32  }
0x29: {  	v15 =	vimm.f32 $0.0e+00;
	s14 =	sand.u32 $0x1F00, s16;
	s16 =	sand.u32 $0x40, s7;
	s6 =	simm.s32 $0x60;
	v24 =	vor.u32 s11, v1  }
0x2a: {  	s13 =	sshll.u32 s31, $0x5;
	s18 =	sor.u32 s16, s14;
	s15 =	sand.u32 $0x60, s6;
	vm3 =	veq.s32 v11, $0x0;
	vm5 =	veq.s32 v14, $0x0;
	(erf) = vpow2.f32 v7  }
0x2b: {  	s8 =	simm.s32 $0x4;
	s17 =	sadd.s32 $0xA0, s13;
	s15 =	sor.u32 s15, s14;
	vm4 =	veq.s32 v5, $0x0;
	vm6 =	veq.s32 v12, $0x0;
	v8 =	vsel vm5, v8, v10;
	v3 =	vld [tilespmem:s18+$0x0]  }
0x2c: {  	s5 =	sadd.s32 $0x80, s5;
	s20 =	sand.u32 $0x7, s8;
	s19 =	sor.u32 $0x80, s17;
	v30 =	vsel vm6, v16, v17;
	v2 =	vld [tilespmem:s15+$0x0];
	v26 =	vor.u32 s10, v1;
	vm1 =	vlt.s32 v24, v0;
	v24 =	vpop (erf)  }
0x2d: {  	s21 =	sor.u32 $0x80, s5;
	s5 =	simm.s32 $0x70;
	s22 =	sshll.u32 s20, $0x4;
	v4 =	vld [tilespmem:s19+$0x0];
	v25 =	vor.u32 s9, v1;
	vm2 =	vlt.s32 v26, v0;
	v26 =	vmul.f32 $1.077468540e-01, v24  }
0x2e: {  	s24 =	sand.u32 $0x70, s5;
	s23 =	sadd.s32 $0x80, s22;
	v20 =	vsub.f32 v20, v8;
	v13 =	vor.u32 s25, v1;
	v7 =	vld [tilespmem:s21+$0x0];
	vm0 =	vlt.s32 v25, v0;
	v29 =	vpop (erf)  }
0x2f: {  	s26 =	sadd.s32 $0x30, s23;
	s25 =	sor.u32 s24, s14;
	v25 =	vsel vm3, v6, v9;
	v10 =	vadd.f32 $-3.971183000e-01, v26;
	v26 =	vmul.f32 $1.077468540e-01, v29  }
0x30: {  	s29 =	sor.u32 $0x80, s26;
	v18 =	vsel vm4, v18, v19;
	v30 =	vsub.f32 v21, v30;
	v5 =	vld [tilespmem:s25+$0x0];
	v16 =	vsub.f32 v22, v25;
	v22 =	vpop (erf)  }
0x31: {  	v18 =	vsub.f32 v23, v18;
	s9 =	simm.s32 $0x50;
	s11 =	sadd.s32 $0x10, s23;
	v9 =	vld [tilespmem:s29+$0x0];
	v25 =	vmul.f32 $1.077468540e-01, v22;
	v10 =	vmul.f32 v10, v24  }
0x32: {  	s28 =	sand.u32 $0x50, s9;
	s31 =	sor.u32 $0x80, s11;
	v6 =	vmax.f32 v2, v4;
	v28 =	vmin.f32 v2, v4;
	v19 =	vadd.f32 $-3.971183000e-01, v26  }
0x33: {  	s30 =	sor.u32 s28, s14;
	v14 =	vld [tilespmem:s31+$0x0];
	v11 =	vmax.f32 v3, v7;
	v25 =	vadd.f32 $-3.971183000e-01, v25;
	v26 =	vpop (erf);
	v32 =	vadd.f32 $9.823971390e-01, v10  }
0x34: {  	v12 =	vld [tilespmem:s30+$0x0];
	v27 =	vmin.f32 v3, v7;
	v33 =	vmul.f32 v19, v29;
	v31 =	vmul.f32 $1.077468540e-01, v26  }
0x35: {  	v27 =	vsub.f32 v27, v11;
	v25 =	vmul.f32 v25, v22;
	v24 =	vmul.f32 v32, v24  }
0x36: {  	v8 =	vmax.f32 v5, v9;
	v62 =	vadd.f32 $9.823971390e-01, v33;
	v61 =	vadd.f32 $-3.971183000e-01, v31  }
0x37: {  	v17 =	vmin.f32 v5, v9;
	v25 =	vadd.f32 $9.823971390e-01, v25;
	v23 =	vadd.f32 $5.027216390e-04, v24  }
0x38: {  	v19 =	vsub.f32 v28, v6;
	v24 =	vmul.f32 v62, v29;
	v28 =	vmul.f32 v61, v26  }
0x39: {  	v63 =	vmin.f32 v12, v14;
	v22 =	vmul.f32 v25, v22;
	v23 =	vadd.f32 v23, v20  }
0x3a: {  	s12 =	simm.s32 $0x4;
	v10 =	vmax.f32 v12, v14;
	v31 =	vadd.f32 $5.027216390e-04, v24;
	v28 =	vadd.f32 $9.823971390e-01, v28  }
0x3b: {  	s13 =	simm.s32 $0x100;
	s16 =	simm.s32 $0xB0;
	s15 =	simm.s32 $0x4;
	v21 =	vmul.f32 $1.442695020e+00, v27;
	v24 =	vsub.f32 v63, v10;
	v22 =	vadd.f32 $5.027216390e-04, v22  }
0x3c: {  	s10 =	simm.s32 $0x2060;
	s11 =	simm.s32 $0x200;
	s14 =	simm.s32 $0x120;
	v25 =	vnsel vm2, $0x0, v23;
	v23 =	vadd.f32 v31, v30;
	v20 =	vmul.f32 v28, v26  }
.LBB2_1:
0x3d: {  	s18 =	sadd.s32 $0xFFFFFFF0, s16  }
0x3e: {  	v24 =	vmul.f32 $1.442695020e+00, v24;
	v26 =	vld [tilespmem:s10+$0x10];
	p0 =	por !p0, !p0;
	s11 =	sadd.s32 $0x200, s11;
	(erf) = vpow2.f32 v21;
	v15 =	vadd.f32 v25, v15;
	s19 =	sand.u32 $0x3, s15  }
0x3f: {  	s20 =	sadd.s32 $0xFFFFFFD0, s16;
	v20 =	vadd.f32 $5.027216390e-04, v20;
	s21 =	simm.s32 $0x1;
	s17 =	sshrl.u32 s11, $0x2;
	v21 =	vld [tilespmem:s10+$0x0];
	v23 =	vnsel vm1, $0x0, v23;
	v16 =	vadd.f32 v22, v16  }
0x40: {  	v19 =	vmul.f32 $1.442695020e+00, v19;
	v17 =	vsub.f32 v17, v8;
	s21 =	simm.s32 @!p0 $0x0;
	s22 =	sand.u32 $0x60, s18;
	s17 =	sand.u32 $0x1F00, s17;
	v22 =	vld [tilespmem:s10+$0xFFFFFFF0];
	v15 =	vadd.f32 v23, v15  }
0x41: {  	s19 =	sshll.u32 s19, $0x5;
	s23 =	sand.u32 $0x40, s20;
	v18 =	vadd.f32 v20, v18;
	s22 =	sor.u32 s22, s17;
	v23 =	vld [tilespmem:s10+$0xFFFFFFE0];
	(erf) = vpow2.f32 v24;
	v16 =	vnsel vm0, $0x0, v16  }
0x42: {  	s19 =	sadd.s32 s19, s14;
	s21 =	sshll.u32 s21, $0x6;
	v17 =	vmul.f32 $1.442695020e+00, v17;
	s23 =	sor.u32 s23, s17;
	vm0 =	vlt.s32 v13, v0;
	v20 =	vld [tilespmem:s22+$0x0];
	v15 =	vadd.f32 v16, v15  }
0x43: {  	s8 =	sadd.s32 $0x4, s8;
	s21 =	sadd.s32 s21, s13;
	s19 =	sor.u32 $0x80, s19;
	v13 =	vnsel vm0, $0x0, v18;
	v16 =	vld [tilespmem:s23+$0x0];
	(erf) = vpow2.f32 v19  }
0x44: {  	s22 =	sand.u32 $0x7, s8;
	s21 =	sor.u32 $0x80, s21;
	v18 =	vld [tilespmem:s19+$0x0];
	(erf) = vpow2.f32 v17;
	v15 =	vadd.f32 v13, v15  }
0x45: {  	v24 =	vor.u32 s6, v1;
	s6 =	smov.u32 s18;
	v19 =	vor.u32 s9, v1;
	s19 =	sshll.u32 s22, $0x4;
	v13 =	vor.u32 s5, v1;
	s5 =	smov.u32 s16;
	v17 =	vld [tilespmem:s21+$0x0]  }
0x46: {  	v25 =	vor.u32 s7, v1;
	s7 =	smov.u32 s20;
	vm0 =	vlt.s32 v24, v0;
	vm1 =	vlt.s32 v19, v0;
	s18 =	sadd.s32 s19, s13;
	s19 =	sand.u32 $0x70, s16  }
0x47: {  	vm2 =	vlt.s32 v25, v0;
	s9 =	sadd.s32 $0xFFFFFFE0, s16;
	vm4 =	veq.s32 v26, $0x0;
	vm3 =	veq.s32 v21, $0x0;
	s19 =	sor.u32 s19, s17;
	s20 =	sadd.s32 $0x30, s18;
	v21 =	vpop (erf)  }
0x48: {  	s21 =	sand.u32 $0x50, s9;
	vm6 =	veq.s32 v22, $0x0;
	v22 =	vsel vm3, v2, v4;
	vm5 =	veq.s32 v23, $0x0;
	v2 =	vmovc v20;
	v19 =	vld [tilespmem:s19+$0x0];
	s19 =	sor.u32 $0x80, s20  }
0x49: {  	s17 =	sor.u32 s21, s17;
	s18 =	sadd.s32 $0x10, s18;
	v25 =	vsel vm5, v3, v7;
	v24 =	vmul.f32 $1.077468540e-01, v21;
	v3 =	vmovc v16;
	v20 =	vmax.f32 v2, v18;
	v23 =	vld [tilespmem:s19+$0x0];
	v4 =	vmovc v18  }
0x4a: {  	v18 =	vmax.f32 v3, v17;
	v26 =	vmin.f32 v3, v17;
	v27 =	vld [tilespmem:s17+$0x0];
	s17 =	sor.u32 $0x80, s18;
	v28 =	vmin.f32 v2, v4;
	v29 =	vpop (erf)  }
0x4b: {  	s12 =	sadd.s32 $0x4, s12;
	v32 =	vsel vm4, v5, v9;
	v24 =	vadd.f32 $-3.971183000e-01, v24;
	v7 =	vmovc v17;
	v30 =	vld [tilespmem:s17+$0x0];
	v34 =	vmul.f32 $1.077468540e-01, v29  }
0x4c: {  	p1 =	slt.u32 s12, $0xFC;
	v33 =	vsel vm6, v12, v14;
	v25 =	vsub.f32 v11, v25;
	v16 =	vsub.f32 v6, v22;
	v22 =	vpop (erf)  }
0x4d: {  	v36 =	vmul.f32 v24, v21;
	v37 =	vadd.f32 $-3.971183000e-01, v34;
	v38 =	vmul.f32 $1.077468540e-01, v22;
	v31 =	vpop (erf)  }
0x4e: {  	v6 =	vmovc v20;
	v5 =	vmovc v19;
	v24 =	vmax.f32 v19, v23;
	v17 =	vmin.f32 v19, v23;
	v39 =	vmul.f32 $1.077468540e-01, v31  }
0x4f: {  	v11 =	vmovc v18;
	v20 =	vadd.f32 $9.823971390e-01, v36;
	v9 =	vmovc v23;
	v34 =	vmul.f32 v37, v29;
	v35 =	vadd.f32 $-3.971183000e-01, v38  }
0x50: {  	v19 =	vsub.f32 v28, v6;
	v12 =	vmovc v27;
	v23 =	vmax.f32 v27, v30;
	v18 =	vadd.f32 $-3.971183000e-01, v39;
	v14 =	vmovc v30  }
0x51: {  	v20 =	vmul.f32 v20, v21;
	v21 =	vadd.f32 $9.823971390e-01, v34;
	v27 =	vmul.f32 v35, v22  }
0x52: {  	v26 =	vsub.f32 v26, v11;
	v28 =	vmul.f32 v18, v31;
	v18 =	vsub.f32 v8, v32;
	v8 =	vmovc v24  }
.Ltmp0:
0x53: {  	v20 =	vadd.f32 $5.027216390e-04, v20;
	v21 =	vmul.f32 v21, v29;
	v24 =	vadd.f32 $9.823971390e-01, v27;
	(pc) =	sbr.rel @p1 .LBB2_1-.Ltmp0, $4  }
0x54: {  	v27 =	vmin.f32 v12, v14;
	v29 =	vsub.f32 v10, v33;
	v10 =	vmovc v23;
	v28 =	vadd.f32 $9.823971390e-01, v28  }
0x55: {  	v23 =	vadd.f32 v20, v25;
	v30 =	vadd.f32 $5.027216390e-04, v21;
	v22 =	vmul.f32 v24, v22  }
0x56: {  	s14 =	sadd.s32 $0x80, s14;
	s13 =	sadd.s32 $0x80, s13;
	v21 =	vmul.f32 $1.442695020e+00, v26;
	v24 =	vsub.f32 v27, v10;
	v20 =	vmul.f32 v28, v31  }
0x57: {  	s15 =	sadd.s32 $0x2, s15;
	s10 =	sadd.s32 $0x40, s10;
	s16 =	sadd.s32 $0x40, s16;
	v25 =	vnsel vm2, $0x0, v23;
	v23 =	vadd.f32 v30, v29;
	v22 =	vadd.f32 $5.027216390e-04, v22  }
0x58: {  	v24 =	vmul.f32 $1.442695020e+00, v24;
	(erf) = vpow2.f32 v21  }
0x59: {  	v17 =	vsub.f32 v17, v8  }
0x5a: {  	v19 =	vmul.f32 $1.442695020e+00, v19;
	(erf) = vpow2.f32 v24  }
0x5b: {  	v17 =	vmul.f32 $1.442695020e+00, v17  }
0x5c: {  	(erf) = vpow2.f32 v19  }
0x5d: {  	(erf) = vpow2.f32 v17  }
0x5e: {  	v15 =	vadd.f32 v25, v15  }
0x5f: {  	v35 =	vadd.f32 $5.027216390e-04, v20;
	v36 =	vld [tilespmem:s10+$0x10];
	v34 =	vnsel vm1, $0x0, v23;
	v16 =	vadd.f32 v22, v16  }
0x60: {  	v37 =	vld [tilespmem:s10+$0x0];
	vm10 =	vlt.s32 v13, v0;
	v15 =	vadd.f32 v34, v15  }
0x61: {  	v38 =	vld [tilespmem:s10+$0xFFFFFFE0];
	v42 =	vor.u32 s9, v1;
	v18 =	vadd.f32 v35, v18;
	v16 =	vnsel vm0, $0x0, v16;
	v39 =	vpop (erf)  }
0x62: {  	v40 =	vld [tilespmem:s10+$0xFFFFFFF0];
	v43 =	vor.u32 s6, v1;
	v15 =	vadd.f32 v16, v15;
	v41 =	vmul.f32 $1.077468540e-01, v39  }
0x63: {  	v44 =	vor.u32 s7, v1;
	v57 =	vcvt.s32.f32 v0;
	v13 =	vnsel vm10, $0x0, v18;
	v24 =	vpop (erf)  }
0x64: {  	v13 =	vadd.f32 v13, v15;
	v15 =	vadd.f32 $-3.971183000e-01, v41;
	v45 =	vmul.f32 $1.077468540e-01, v24  }
0x65: {  	vm11 =	vlt.s32 v44, v0;
	vm12 =	veq.s32 v37, $0x0;
	vm2 =	veq.s32 v36, $0x0;
	v46 =	vpop (erf)  }
0x66: {  	v48 =	vmul.f32 $1.077468540e-01, v46;
	v49 =	vpop (erf);
	v15 =	vmul.f32 v15, v39;
	v47 =	vadd.f32 $-3.971183000e-01, v45  }
0x67: {  	vm3 =	veq.s32 v38, $0x0;
	vm4 =	veq.s32 v40, $0x0;
	v50 =	vmul.f32 $1.077468540e-01, v49  }
0x68: {  	v52 =	vadd.f32 $-3.971183000e-01, v48;
	v15 =	vadd.f32 $9.823971390e-01, v15;
	v51 =	vmul.f32 v47, v24  }
0x69: {  	v3 =	vsel vm3, v3, v7;
	v2 =	vsel vm12, v2, v4;
	v53 =	vadd.f32 $-3.971183000e-01, v50  }
0x6a: {  	v56 =	vmul.f32 v52, v46;
	v54 =	vmul.f32 v15, v39;
	v55 =	vadd.f32 $9.823971390e-01, v51  }
0x6b: {  	v12 =	vsel vm4, v12, v14;
	v3 =	vsub.f32 v11, v3;
	v4 =	vmul.f32 v53, v49  }
0x6c: {  	v15 =	vadd.f32 $9.823971390e-01, v56;
	v7 =	vadd.f32 $5.027216390e-04, v54;
	v11 =	vmul.f32 v55, v24  }
0x6d: {  	v10 =	vsub.f32 v10, v12;
	(erf) = vrcp.f32 v57;
	v4 =	vadd.f32 $9.823971390e-01, v4  }
0x6e: {  	v59 =	vmul.f32 v15, v46;
	v3 =	vadd.f32 v7, v3;
	v58 =	vadd.f32 $5.027216390e-04, v11  }
0x6f: {  	v5 =	vsel vm2, v5, v9;
	v2 =	vsub.f32 v6, v2;
	v4 =	vmul.f32 v4, v49  }
0x70: {  	v61 =	vadd.f32 $5.027216390e-04, v59;
	v3 =	vnsel vm11, $0x0, v3;
	v60 =	vadd.f32 v58, v10  }
0x71: {  	vm13 =	vlt.s32 v42, v0;
	v5 =	vsub.f32 v8, v5;
	v3 =	vadd.f32 v3, v13  }
0x72: {  	v4 =	vadd.f32 $5.027216390e-04, v4;
	v2 =	vadd.f32 v61, v2;
	v6 =	vnsel vm13, $0x0, v60  }
0x73: {  	vm14 =	vlt.s32 v43, v0;
	v3 =	vadd.f32 v6, v3  }
0x74: {  	v62 =	vor.u32 s5, v1;
	v4 =	vadd.f32 v4, v5;
	v2 =	vnsel vm14, $0x0, v2  }
0x75: {  	vm15 =	vlt.s32 v62, v0;
	v2 =	vadd.f32 v2, v3  }
0x76: {  	v63 =	vpop (erf);
	v0 =	vnsel vm15, $0x0, v4  }
0x77: {  	v1 =	vmul.f32 $6.250000000e-02, v63;
	v0 =	vadd.f32 v0, v2;
	_ =	sdelay $0x1  }
0x78: {  	v0 =	vmul.f32 v0, v1;
	_ =	sdelay $0x1  }
0x79: {  	s4 =	sadd.s32 s4, s2;
	s30 =	simm.s32 $0x3080;
	s31 =	simm.s32 $0x4;
	[tilespmem:$0x3080] =	vst v0  }
0x7a: {  	[spmem:s4] =	stream.linear.scatter [tilespmem:s30], [sflag:$0x4], $0x10, $0x38;
	[tilespmem:$0x3210] =	vst v63  }
0x7b: {  	_ =	swait.ge [sflag:s31], $0x10  }
0x7c: {  	[sflag:s31] =	ssyncset.done $0x0  }
0x7d: {  	[sflag:s31] =	ssyncadd.s32 $0xFFFFFFF0  }
0x7e: {  	p0 =	sne.s32 s3, $0x0;
	[bflag:$0x0] =	sbarrier.arrive $0xFFFF  }
0x7f: {  	_ =	sfence.sel @p0 $0x180000  }
0x80: {  	[bflag:$0x0] =	sbarrier.arrive @p0 $0xFFFF  }
0x81: {  	_ =	strace @p0 $0x90000047  }
0x82: {  	s3 =	simm.s32 @!p0 $0x3100;
	[bflag:$0x2] =	sbarrier.arrive @p0 $0xFFFF  }
0x83: {  	[tilespmem:s3], [sflag:$0x4] =	stream.linear.gather @!p0 [spmem:s2], $0x100, $0x38;
	[tilespmem:$0x3210] =	vst v63  }
0x84: {  	s2 =	simm.s32 @!p0 $0x4  }
0x85: {  	_ =	swait.ge @!p0 [sflag:s2], $0x100  }
0x86: {  	[sflag:s2] =	ssyncset.done @!p0 $0x0  }
0x87: {  	[sflag:s2] =	ssyncadd.s32 @!p0 $0xFFFFFF00  }
0x88: {  	v0 =	vld @!p0 [tilespmem:$0x3100];
	_ =	sdelay $0x1  }
0x89: {  	v1 =	vld @!p0 [tilespmem:$0x3110];
	_ =	sdelay $0x1  }
0x8a: {  	v2 =	vld @!p0 [tilespmem:$0x3120]  }
0x8b: {  	v0 =	vadd.f32 @!p0 $0.0e+00, v0  }
0x8c: {  	v3 =	vld @!p0 [tilespmem:$0x3130]  }
0x8d: {  	v0 =	vadd.f32 @!p0 v1, v0  }
0x8e: {  	v1 =	vld @!p0 [tilespmem:$0x3140]  }
0x8f: {  	v0 =	vadd.f32 @!p0 v2, v0  }
0x90: {  	v2 =	vld @!p0 [tilespmem:$0x3150]  }
0x91: {  	v0 =	vadd.f32 @!p0 v3, v0  }
0x92: {  	v3 =	vld @!p0 [tilespmem:$0x3160]  }
0x93: {  	v0 =	vadd.f32 @!p0 v1, v0  }
0x94: {  	v1 =	vld @!p0 [tilespmem:$0x3170]  }
0x95: {  	v0 =	vadd.f32 @!p0 v2, v0  }
0x96: {  	v2 =	vld @!p0 [tilespmem:$0x3180]  }
0x97: {  	v0 =	vadd.f32 @!p0 v3, v0  }
0x98: {  	v3 =	vld @!p0 [tilespmem:$0x3190]  }
0x99: {  	v0 =	vadd.f32 @!p0 v1, v0  }
0x9a: {  	v1 =	vld @!p0 [tilespmem:$0x31A0]  }
0x9b: {  	v0 =	vadd.f32 @!p0 v2, v0  }
0x9c: {  	v2 =	vld @!p0 [tilespmem:$0x31B0]  }
0x9d: {  	v0 =	vadd.f32 @!p0 v3, v0  }
0x9e: {  	v3 =	vld @!p0 [tilespmem:$0x31C0]  }
0x9f: {  	v0 =	vadd.f32 @!p0 v1, v0  }
0xa0: {  	v1 =	vld @!p0 [tilespmem:$0x31D0]  }
0xa1: {  	v0 =	vadd.f32 @!p0 v2, v0  }
0xa2: {  	v2 =	vld @!p0 [tilespmem:$0x31E0]  }
0xa3: {  	v0 =	vadd.f32 @!p0 v3, v0  }
0xa4: {  	v3 =	vld @!p0 [tilespmem:$0x31F0]  }
0xa5: {  	v0 =	vadd.f32 @!p0 v1, v0;
	_ =	sdelay $0x1  }
0xa6: {  	v0 =	vadd.f32 @!p0 v2, v0;
	_ =	sdelay $0x1  }
0xa7: {  	v0 =	vadd.f32 @!p0 v3, v0;
	_ =	sdelay $0x1  }
0xa8: {  	(xrf2) =	vadd.scan.msk.f32 @!p0 $0xffff, v0;
	_ =	sdelay $0x9  }
0xa9: {  	v0, _, _ =	vpop @!p0 (xrf2)  }
0xaa: {  	v0 =	vbroadcast @!p0 v0, $0xF;
	_ =	sdelay $0x1  }
0xab: {  	s4 =	simm.s32 @!p0 $0x3080;
	s3 =	simm.s32 @!p0 $0x0;
	[tilespmem:$0x3080] =	vst @!p0 v0  }
0xac: {  	[hbm4b:s1+s3] =	stream.linear.scatter @!p0 [tilespmem:s4], [sflag:$0x4], $0x80, $0x38;
	[tilespmem:$0x3210] =	vst v63  }
0xad: {  	_ =	swait.ge @!p0 [sflag:s2], $0x80  }
0xae: {  	[sflag:s2] =	ssyncset.done @!p0 $0x0  }
0xaf: {  	[sflag:s2] =	ssyncadd.s32 @!p0 $0xFFFFFF80  }
0xb0: {  	_ =	sfence.sel @!p0 $0x180000  }
0xb1: {  	[bflag:$0x0] =	sbarrier.arrive @!p0 $0xFFFF  }
0xb2: {  	_ =	strace @!p0 $0x90000047  }
0xb3: {  	s0 =	sadd.s32 @!p0 $0x100000, s0;
	[bflag:$0x2] =	sbarrier.arrive @!p0 $0xFFFF  }
0xb4: {  	[sflag:s0] =	ssyncadd.tile.s32 @!p0 $0x1;
	_ =	shalt  }
.Lfunc_end2:
_tile_overlayer_lowered:
.L_overlay_start_2:
0xb5: {  	(tag) =	ssettag $0x2  }
0xb6: {  	s0 =	rddreg [dreg:$0x0];
	s2 =	stileid.u32  }
0xb7: {  	s1 =	rddreg [dreg:$0x1];
	p0 =	sne.s32 s2, $0x0  }
0xb8: {  	s3 =	rddreg [dreg:$0x2];
	[bflag:$0x3] =	sbarrier.arrive $0xFFFF;
	s2 =	simm.s32 @!p0 $0x1C04  }
0xb9: {  	[timem:s3], [sflag:s2] =	dma.local @!p0 [hbm:s0], s1  }
0xba: {  	s0 =	simm.s32 @!p0 $0x4  }
0xbb: {  	_ =	swait.ge @!p0 [sflag:s0], s1  }
0xbc: {  	s1 =	ssub.s32 @!p0 $0x0, s1;
	[sflag:s0] =	ssyncset.done @!p0 $0x0  }
0xbd: {  	[sflag:s0] =	ssyncadd.s32 @!p0 s1  }
0xbe: {  	[bflag:$0x3] =	sbarrier.arrive $0xFFFF  }
0xbf: {  	_ =	shalt  }

</sc_bundles>
